<compile_context>
chip_gen: v7x
topology: tpu7x:2x2x1
jax: 0.10.2.dev20260603
libtpu: 0.0.44.dev20260713+nightly
codegen_flags: <defaults>
</compile_context>

<pallas_src>
import functools

import jax
import jax.numpy as jnp
from jax import lax
from jax.experimental import pallas as pl
from jax.experimental.pallas import tpu as pltpu
from jax.experimental.pallas import tpu_sc as plsc

_EPS = 1e-08
_B, _N = 1024, 4096
_K = 128
_L = 16
_NW = 32
_ROWS_PER_W = _K // _NW
_CHUNKS = _N // _L
_LN2 = 0.6931471805599453
_TC_ROWS = 128


def _sc_log(v):
    m = v
    k = jnp.zeros((_L,), jnp.float32)
    for j in (16, 8, 4, 2, 1):
        c = m < (1.5 / (1 << j))
        m = jnp.where(c, m * float(1 << j), m)
        k = jnp.where(c, k + float(j), k)
    s = (m - 1.0) / (m + 1.0)
    s2 = s * s
    p = 1.0 + s2 * (0.33333333333 + s2 * (0.2 + s2 * (0.14285714285 + s2 * 0.11111111111)))
    p = (2.0 * s) * p
    return p - k * _LN2


def _sc_body(x_hbm, u_hbm, out_hbm, xv, uv, wv, ov, rv):
    wid = lax.axis_index("s") * 2 + lax.axis_index("c")
    base = wid * _ROWS_PER_W

    def row_body(i, carry):
        row = base + i
        pltpu.sync_copy(x_hbm.at[row], xv)
        pltpu.sync_copy(u_hbm.at[row], uv)

        def chunk(j, acc):
            xx = xv[pl.ds(j * _L, _L)]
            uu = uv[pl.ds(j * _L, _L)]
            t = jnp.exp(-xx)
            e_noise = -_sc_log(uu + _EPS) + _EPS
            eps_t = _EPS * t
            num = (1.0 + _EPS) + eps_t
            den = ((t + _EPS) + eps_t) * e_noise
            w = num / den
            wv[pl.ds(j * _L, _L)] = w
            return acc + w

        acc = lax.fori_loop(0, _CHUNKS, chunk, jnp.zeros((_L,), jnp.float32))
        for sh in (8, 4, 2, 1):
            rv[pl.ds(0, _L)] = acc
            rv[pl.ds(_L, _L)] = acc
            acc = acc + rv[pl.ds(sh, _L)]
        tv = acc * 0.5

        def chunk2(j, c):
            w = wv[pl.ds(j * _L, _L)]
            ov[pl.ds(j * _L, _L)] = jnp.where(w > tv, 1.0, 0.0)
            return c

        lax.fori_loop(0, _CHUNKS, chunk2, 0)
        pltpu.sync_copy(ov, out_hbm.at[row])
        return carry

    lax.fori_loop(0, _ROWS_PER_W, row_body, 0)


def _tc_body(x_ref, u_ref, o_ref):
    x = x_ref[...]
    u = u_ref[...]
    t = jnp.exp(-x)
    e_noise = -jnp.log(u + _EPS) + _EPS
    eps_t = _EPS * t
    num = (1.0 + _EPS) + eps_t
    den = ((t + _EPS) + eps_t) * e_noise
    w = num / den
    s = jnp.sum(w, axis=-1, keepdims=True)
    o_ref[...] = (w > 0.5 * s).astype(jnp.float32)


def kernel(attention_scores, uniform):
    x_sc = attention_scores[:_K]
    u_sc = uniform[:_K]
    mesh = plsc.VectorSubcoreMesh(core_axis_name="c", subcore_axis_name="s")
    sc_out = functools.partial(
        pl.kernel,
        mesh=mesh,
        out_type=jax.ShapeDtypeStruct((_K, _N), jnp.float32),
        scratch_types=[
            pltpu.VMEM((_N,), jnp.float32),
            pltpu.VMEM((_N,), jnp.float32),
            pltpu.VMEM((_N,), jnp.float32),
            pltpu.VMEM((_N,), jnp.float32),
            pltpu.VMEM((2 * _L,), jnp.float32),
        ],
    )(_sc_body)(x_sc, u_sc)

    n_tc = _B - _K
    spec = pl.BlockSpec((_TC_ROWS, _N), lambda i: (i, 0))
    tc_out = pl.pallas_call(
        _tc_body,
        grid=(n_tc // _TC_ROWS,),
        in_specs=[spec, spec],
        out_specs=spec,
        out_shape=jax.ShapeDtypeStruct((n_tc, _N), jnp.float32),
        compiler_params=pltpu.CompilerParams(
            dimension_semantics=("arbitrary",),
        ),
    )(attention_scores[_K:], uniform[_K:])
    return jnp.concatenate([sc_out, tc_out], axis=0)

# --- scband reference (transcript-rebuilt; emitter-appended) ---
"""Pipeline reference for scband-gumbel-softmax-router-44590350467495 (READ-ONLY COPY).

The authoritative reference and input builder live on the scoring server;
editing this copy changes nothing except your own understanding.
"""

import jax, jax.numpy as jnp
import numpy as np

TEMPERATURE = 1.0
EPS = 1e-08
B, N = 1024, 4096

def setup_inputs(seed: int = 0) -> dict:
    key = jax.random.key(seed)
    k1, k2 = jax.random.split(key)
    attention_scores = jax.random.normal(k1, (B, N), dtype=jnp.float32)
    # Gumbel base noise materialized here for determinism (torch uses torch.rand_like)
    uniform = jax.random.uniform(k2, (B, N), dtype=jnp.float32)
    return {"attention_scores": attention_scores, "uniform": uniform}

def reference(attention_scores, uniform):
    # eval-mode default path: inference_mode='sampling' with self.training=False
    # falls into the final else branch -> _gumbel_softmax_sample(probs)
    probs = jax.nn.sigmoid(attention_scores)
    gumbel_noise = -jnp.log(-jnp.log(uniform + EPS) + EPS)
    logits = jnp.log(probs + EPS) - jnp.log(1.0 - probs + EPS)
    logits = logits + gumbel_noise
    # hard=True: straight-through estimator
    y_soft = jax.nn.softmax(logits / TEMPERATURE, axis=-1)
    y_hard = (y_soft > 0.5).astype(jnp.float32)
    routing_mask = y_hard - jax.lax.stop_gradient(y_soft) + y_soft
    return routing_mask

if __name__ == "__main__":
    import jax
    _d = setup_inputs()
    print(jax.jit(kernel)(*tuple(_d.values())))

</pallas_src>

<mosaic_0001>
#map = affine_map<(d0, d1) -> (0, 0)>
module attributes {stable_mosaic.version = 14 : i64} {
  func.func @_sc_body(%arg0: i32, %arg1: i32, %arg2: memref<128x4096xf32, #tpu.memory_space<hbm>>, %arg3: memref<128x4096xf32, #tpu.memory_space<hbm>>, %arg4: memref<128x4096xf32, #tpu.memory_space<hbm>>, %arg5: memref<4096xf32, #tpu.memory_space<vmem>>, %arg6: memref<4096xf32, #tpu.memory_space<vmem>>, %arg7: memref<4096xf32, #tpu.memory_space<vmem>>, %arg8: memref<4096xf32, #tpu.memory_space<vmem>>, %arg9: memref<32xf32, #tpu.memory_space<vmem>>) attributes {dimension_semantics = [#tpu.dimension_semantics<core_parallel>, #tpu.dimension_semantics<subcore_parallel>], iteration_bounds = array<i64: 2, 16>, scalar_prefetch = 0 : i64, scratch_operands = 5 : i64, tpu.core_type = #tpu.core_type<sc_vector_subcore>, window_params = [{transform_indices = #map}, {transform_indices = #map}, {transform_indices = #map}]} {
    %mul3A = arith.constant 2 : i32
    %mul3A_0 = arith.muli %arg1, %mul3A : i32
    %add3A = arith.addi %mul3A_0, %arg0 : i32
    %mul3A_1 = arith.constant 4 : i32
    %mul3A_2 = arith.muli %add3A, %mul3A_1 : i32
    %scan3A = arith.constant 0 : i32
    %scan3A_3 = arith.constant 0 : i32
    %scan3A_4 = arith.constant 4 : i32
    %scan3A_5 = arith.addi %scan3A_3, %scan3A_4 : i32
    %scan3A_6 = arith.constant 1 : i32
    scf.for %scan3A_8 = %scan3A_3 to %scan3A_5 step %scan3A_6  : i32 {
      %add3A_9 = arith.addi %mul3A_2, %scan3A_8 : i32
      "tpu.region"() ({
        %run_scoped3A = tpu.sem_alloc : memref<!tpu.dma_semaphore, #tpu.memory_space<semaphore_mem>>
        %dma_start3A = arith.constant 0 : i32
        %dma_start3A_72 = tpu.memref_slice %arg2[%add3A_9, %dma_start3A] : memref<128x4096xf32, #tpu.memory_space<hbm>> -> memref<1x4096xf32, #tpu.memory_space<hbm>>
        %dma_start3A_73 = tpu.memref_squeeze %dma_start3A_72 : memref<1x4096xf32, #tpu.memory_space<hbm>> -> memref<4096xf32, #tpu.memory_space<hbm>>
        %dma_start3A_74 = arith.constant 0 : i32
        %dma_start3A_75 = tpu.memref_slice %arg2[%add3A_9, %dma_start3A_74] : memref<128x4096xf32, #tpu.memory_space<hbm>> -> memref<1x4096xf32, #tpu.memory_space<hbm>>
        %dma_start3A_76 = tpu.memref_squeeze %dma_start3A_75 : memref<1x4096xf32, #tpu.memory_space<hbm>> -> memref<4096xf32, #tpu.memory_space<hbm>>
        tpu.enqueue_dma source(%dma_start3A_76 : memref<4096xf32, #tpu.memory_space<hbm>>) target(%arg5 : memref<4096xf32, #tpu.memory_space<vmem>>) target_semaphore(%run_scoped3A : memref<!tpu.dma_semaphore, #tpu.memory_space<semaphore_mem>>)
        %dma_wait3A = arith.constant 0 : i32
        %dma_wait3A_77 = tpu.memref_slice %arg2[%add3A_9, %dma_wait3A] : memref<128x4096xf32, #tpu.memory_space<hbm>> -> memref<1x4096xf32, #tpu.memory_space<hbm>>
        %dma_wait3A_78 = tpu.memref_squeeze %dma_wait3A_77 : memref<1x4096xf32, #tpu.memory_space<hbm>> -> memref<4096xf32, #tpu.memory_space<hbm>>
        %dma_wait3A_79 = arith.constant 0 : i32
        %dma_wait3A_80 = tpu.memref_slice %arg2[%add3A_9, %dma_wait3A_79] : memref<128x4096xf32, #tpu.memory_space<hbm>> -> memref<1x4096xf32, #tpu.memory_space<hbm>>
        %dma_wait3A_81 = tpu.memref_squeeze %dma_wait3A_80 : memref<1x4096xf32, #tpu.memory_space<hbm>> -> memref<4096xf32, #tpu.memory_space<hbm>>
        tpu.wait_dma2 semaphore(%run_scoped3A : memref<!tpu.dma_semaphore, #tpu.memory_space<semaphore_mem>>) src(%dma_wait3A_81 : memref<4096xf32, #tpu.memory_space<hbm>>) dst(%arg5 : memref<4096xf32, #tpu.memory_space<vmem>>)
        tpu.yield
      }) : () -> ()
      "tpu.region"() ({
        %run_scoped3A = tpu.sem_alloc : memref<!tpu.dma_semaphore, #tpu.memory_space<semaphore_mem>>
        %dma_start3A = arith.constant 0 : i32
        %dma_start3A_72 = tpu.memref_slice %arg3[%add3A_9, %dma_start3A] : memref<128x4096xf32, #tpu.memory_space<hbm>> -> memref<1x4096xf32, #tpu.memory_space<hbm>>
        %dma_start3A_73 = tpu.memref_squeeze %dma_start3A_72 : memref<1x4096xf32, #tpu.memory_space<hbm>> -> memref<4096xf32, #tpu.memory_space<hbm>>
        %dma_start3A_74 = arith.constant 0 : i32
        %dma_start3A_75 = tpu.memref_slice %arg3[%add3A_9, %dma_start3A_74] : memref<128x4096xf32, #tpu.memory_space<hbm>> -> memref<1x4096xf32, #tpu.memory_space<hbm>>
        %dma_start3A_76 = tpu.memref_squeeze %dma_start3A_75 : memref<1x4096xf32, #tpu.memory_space<hbm>> -> memref<4096xf32, #tpu.memory_space<hbm>>
        tpu.enqueue_dma source(%dma_start3A_76 : memref<4096xf32, #tpu.memory_space<hbm>>) target(%arg6 : memref<4096xf32, #tpu.memory_space<vmem>>) target_semaphore(%run_scoped3A : memref<!tpu.dma_semaphore, #tpu.memory_space<semaphore_mem>>)
        %dma_wait3A = arith.constant 0 : i32
        %dma_wait3A_77 = tpu.memref_slice %arg3[%add3A_9, %dma_wait3A] : memref<128x4096xf32, #tpu.memory_space<hbm>> -> memref<1x4096xf32, #tpu.memory_space<hbm>>
        %dma_wait3A_78 = tpu.memref_squeeze %dma_wait3A_77 : memref<1x4096xf32, #tpu.memory_space<hbm>> -> memref<4096xf32, #tpu.memory_space<hbm>>
        %dma_wait3A_79 = arith.constant 0 : i32
        %dma_wait3A_80 = tpu.memref_slice %arg3[%add3A_9, %dma_wait3A_79] : memref<128x4096xf32, #tpu.memory_space<hbm>> -> memref<1x4096xf32, #tpu.memory_space<hbm>>
        %dma_wait3A_81 = tpu.memref_squeeze %dma_wait3A_80 : memref<1x4096xf32, #tpu.memory_space<hbm>> -> memref<4096xf32, #tpu.memory_space<hbm>>
        tpu.wait_dma2 semaphore(%run_scoped3A : memref<!tpu.dma_semaphore, #tpu.memory_space<semaphore_mem>>) src(%dma_wait3A_81 : memref<4096xf32, #tpu.memory_space<hbm>>) dst(%arg6 : memref<4096xf32, #tpu.memory_space<vmem>>)
        tpu.yield
      }) : () -> ()
      %broadcast_in_dim3A = arith.constant 0.000000e+00 : f32
      %broadcast_in_dim3A_10 = vector.broadcast %broadcast_in_dim3A : f32 to vector<16xf32>
      %scan3A_11 = arith.constant 0 : i32
      %scan3A_12 = arith.constant 256 : i32
      %scan3A_13 = arith.addi %scan3A_11, %scan3A_12 : i32
      %scan3A_14 = arith.constant 1 : i32
      %scan3A_15 = scf.for %scan3A_72 = %scan3A_11 to %scan3A_13 step %scan3A_14 iter_args(%scan3A_73 = %broadcast_in_dim3A_10) -> (vector<16xf32>)  : i32 {
        %mul3A_74 = arith.constant 16 : i32
        %mul3A_75 = arith.muli %scan3A_72, %mul3A_74 : i32
        %get3A_76 = arith.index_cast %mul3A_75 : i32 to index
        %get3A_77 = tpu.vector_load %arg5[%get3A_76] {strides = array<i32>} : memref<4096xf32, #tpu.memory_space<vmem>>, vector<16xf32>,
        %get3A_78 = vector.shape_cast %get3A_77 : vector<16xf32> to vector<16xf32>
        %mul3A_79 = arith.constant 16 : i32
        %mul3A_80 = arith.muli %scan3A_72, %mul3A_79 : i32
        %get3A_81 = arith.index_cast %mul3A_80 : i32 to index
        %get3A_82 = tpu.vector_load %arg6[%get3A_81] {strides = array<i32>} : memref<4096xf32, #tpu.memory_space<vmem>>, vector<16xf32>,
        %get3A_83 = vector.shape_cast %get3A_82 : vector<16xf32> to vector<16xf32>
        %neg3A = arith.constant 0.000000e+00 : f32
        %neg3A_84 = vector.broadcast %neg3A : f32 to vector<16xf32>
        %neg3A_85 = arith.subf %neg3A_84, %get3A_78 : vector<16xf32>
        %exp3A = math.exp %neg3A_85 : vector<16xf32>
        %add3A_86 = arith.constant 9.99999993E-9 : f32
        %add3A_87 = vector.broadcast %add3A_86 : f32 to vector<16xf32>
        %add3A_88 = arith.addf %get3A_83, %add3A_87 : vector<16xf32>
        %broadcast_in_dim3A_89 = arith.constant 0.000000e+00 : f32
        %broadcast_in_dim3A_90 = vector.broadcast %broadcast_in_dim3A_89 : f32 to vector<16xf32>
        %lt3A = arith.constant 2.28881836E-5 : f32
        %lt3A_91 = vector.broadcast %lt3A : f32 to vector<16xf32>
        %lt3A_92 = arith.cmpf olt, %add3A_88, %lt3A_91 : vector<16xf32>
        %mul3A_93 = arith.constant 6.553600e+04 : f32
        %mul3A_94 = vector.broadcast %mul3A_93 : f32 to vector<16xf32>
        %mul3A_95 = arith.mulf %add3A_88, %mul3A_94 : vector<16xf32>
        %select_n3A = arith.select %lt3A_92, %mul3A_95, %add3A_88 : vector<16xi1>, vector<16xf32>
        %add3A_96 = arith.constant 1.600000e+01 : f32
        %add3A_97 = vector.broadcast %add3A_96 : f32 to vector<16xf32>
        %add3A_98 = arith.addf %broadcast_in_dim3A_90, %add3A_97 : vector<16xf32>
        %select_n3A_99 = arith.select %lt3A_92, %add3A_98, %broadcast_in_dim3A_90 : vector<16xi1>, vector<16xf32>
        %lt3A_100 = arith.constant 0.005859375 : f32
        %lt3A_101 = vector.broadcast %lt3A_100 : f32 to vector<16xf32>
        %lt3A_102 = arith.cmpf olt, %select_n3A, %lt3A_101 : vector<16xf32>
        %mul3A_103 = arith.constant 2.560000e+02 : f32
        %mul3A_104 = vector.broadcast %mul3A_103 : f32 to vector<16xf32>
        %mul3A_105 = arith.mulf %select_n3A, %mul3A_104 : vector<16xf32>
        %select_n3A_106 = arith.select %lt3A_102, %mul3A_105, %select_n3A : vector<16xi1>, vector<16xf32>
        %add3A_107 = arith.constant 8.000000e+00 : f32
        %add3A_108 = vector.broadcast %add3A_107 : f32 to vector<16xf32>
        %add3A_109 = arith.addf %select_n3A_99, %add3A_108 : vector<16xf32>
        %select_n3A_110 = arith.select %lt3A_102, %add3A_109, %select_n3A_99 : vector<16xi1>, vector<16xf32>
        %lt3A_111 = arith.constant 9.375000e-02 : f32
        %lt3A_112 = vector.broadcast %lt3A_111 : f32 to vector<16xf32>
        %lt3A_113 = arith.cmpf olt, %select_n3A_106, %lt3A_112 : vector<16xf32>
        %mul3A_114 = arith.constant 1.600000e+01 : f32
        %mul3A_115 = vector.broadcast %mul3A_114 : f32 to vector<16xf32>
        %mul3A_116 = arith.mulf %select_n3A_106, %mul3A_115 : vector<16xf32>
        %select_n3A_117 = arith.select %lt3A_113, %mul3A_116, %select_n3A_106 : vector<16xi1>, vector<16xf32>
        %add3A_118 = arith.constant 4.000000e+00 : f32
        %add3A_119 = vector.broadcast %add3A_118 : f32 to vector<16xf32>
        %add3A_120 = arith.addf %select_n3A_110, %add3A_119 : vector<16xf32>
        %select_n3A_121 = arith.select %lt3A_113, %add3A_120, %select_n3A_110 : vector<16xi1>, vector<16xf32>
        %lt3A_122 = arith.constant 3.750000e-01 : f32
        %lt3A_123 = vector.broadcast %lt3A_122 : f32 to vector<16xf32>
        %lt3A_124 = arith.cmpf olt, %select_n3A_117, %lt3A_123 : vector<16xf32>
        %mul3A_125 = arith.constant 4.000000e+00 : f32
        %mul3A_126 = vector.broadcast %mul3A_125 : f32 to vector<16xf32>
        %mul3A_127 = arith.mulf %select_n3A_117, %mul3A_126 : vector<16xf32>
        %select_n3A_128 = arith.select %lt3A_124, %mul3A_127, %select_n3A_117 : vector<16xi1>, vector<16xf32>
        %add3A_129 = arith.constant 2.000000e+00 : f32
        %add3A_130 = vector.broadcast %add3A_129 : f32 to vector<16xf32>
        %add3A_131 = arith.addf %select_n3A_121, %add3A_130 : vector<16xf32>
        %select_n3A_132 = arith.select %lt3A_124, %add3A_131, %select_n3A_121 : vector<16xi1>, vector<16xf32>
        %lt3A_133 = arith.constant 7.500000e-01 : f32
        %lt3A_134 = vector.broadcast %lt3A_133 : f32 to vector<16xf32>
        %lt3A_135 = arith.cmpf olt, %select_n3A_128, %lt3A_134 : vector<16xf32>
        %mul3A_136 = arith.constant 2.000000e+00 : f32
        %mul3A_137 = vector.broadcast %mul3A_136 : f32 to vector<16xf32>
        %mul3A_138 = arith.mulf %select_n3A_128, %mul3A_137 : vector<16xf32>
        %select_n3A_139 = arith.select %lt3A_135, %mul3A_138, %select_n3A_128 : vector<16xi1>, vector<16xf32>
        %add3A_140 = arith.constant 1.000000e+00 : f32
        %add3A_141 = vector.broadcast %add3A_140 : f32 to vector<16xf32>
        %add3A_142 = arith.addf %select_n3A_132, %add3A_141 : vector<16xf32>
        %select_n3A_143 = arith.select %lt3A_135, %add3A_142, %select_n3A_132 : vector<16xi1>, vector<16xf32>
        %sub3A = arith.constant 1.000000e+00 : f32
        %sub3A_144 = vector.broadcast %sub3A : f32 to vector<16xf32>
        %sub3A_145 = arith.subf %select_n3A_139, %sub3A_144 : vector<16xf32>
        %add3A_146 = arith.constant 1.000000e+00 : f32
        %add3A_147 = vector.broadcast %add3A_146 : f32 to vector<16xf32>
        %add3A_148 = arith.addf %select_n3A_139, %add3A_147 : vector<16xf32>
        %div3A = arith.divf %sub3A_145, %add3A_148 : vector<16xf32>
        %mul3A_149 = arith.mulf %div3A, %div3A : vector<16xf32>
        %mul3A_150 = arith.constant 0.111111112 : f32
        %mul3A_151 = vector.broadcast %mul3A_150 : f32 to vector<16xf32>
        %mul3A_152 = arith.mulf %mul3A_149, %mul3A_151 : vector<16xf32>
        %add3A_153 = arith.constant 0.142857149 : f32
        %add3A_154 = vector.broadcast %add3A_153 : f32 to vector<16xf32>
        %add3A_155 = arith.addf %add3A_154, %mul3A_152 : vector<16xf32>
        %mul3A_156 = arith.mulf %mul3A_149, %add3A_155 : vector<16xf32>
        %add3A_157 = arith.constant 2.000000e-01 : f32
        %add3A_158 = vector.broadcast %add3A_157 : f32 to vector<16xf32>
        %add3A_159 = arith.addf %add3A_158, %mul3A_156 : vector<16xf32>
        %mul3A_160 = arith.mulf %mul3A_149, %add3A_159 : vector<16xf32>
        %add3A_161 = arith.constant 0.333333343 : f32
        %add3A_162 = vector.broadcast %add3A_161 : f32 to vector<16xf32>
        %add3A_163 = arith.addf %add3A_162, %mul3A_160 : vector<16xf32>
        %mul3A_164 = arith.mulf %mul3A_149, %add3A_163 : vector<16xf32>
        %add3A_165 = arith.constant 1.000000e+00 : f32
        %add3A_166 = vector.broadcast %add3A_165 : f32 to vector<16xf32>
        %add3A_167 = arith.addf %add3A_166, %mul3A_164 : vector<16xf32>
        %mul3A_168 = arith.constant 2.000000e+00 : f32
        %mul3A_169 = vector.broadcast %mul3A_168 : f32 to vector<16xf32>
        %mul3A_170 = arith.mulf %mul3A_169, %div3A : vector<16xf32>
        %mul3A_171 = arith.mulf %mul3A_170, %add3A_167 : vector<16xf32>
        %mul3A_172 = arith.constant 0.693147182 : f32
        %mul3A_173 = vector.broadcast %mul3A_172 : f32 to vector<16xf32>
        %mul3A_174 = arith.mulf %select_n3A_143, %mul3A_173 : vector<16xf32>
        %sub3A_175 = arith.subf %mul3A_171, %mul3A_174 : vector<16xf32>
        %neg3A_176 = arith.constant 0.000000e+00 : f32
        %neg3A_177 = vector.broadcast %neg3A_176 : f32 to vector<16xf32>
        %neg3A_178 = arith.subf %neg3A_177, %sub3A_175 : vector<16xf32>
        %add3A_179 = arith.constant 9.99999993E-9 : f32
        %add3A_180 = vector.broadcast %add3A_179 : f32 to vector<16xf32>
        %add3A_181 = arith.addf %neg3A_178, %add3A_180 : vector<16xf32>
        %mul3A_182 = arith.constant 9.99999993E-9 : f32
        %mul3A_183 = vector.broadcast %mul3A_182 : f32 to vector<16xf32>
        %mul3A_184 = arith.mulf %mul3A_183, %exp3A : vector<16xf32>
        %add3A_185 = arith.constant 1.000000e+00 : f32
        %add3A_186 = vector.broadcast %add3A_185 : f32 to vector<16xf32>
        %add3A_187 = arith.addf %add3A_186, %mul3A_184 : vector<16xf32>
        %add3A_188 = arith.constant 9.99999993E-9 : f32
        %add3A_189 = vector.broadcast %add3A_188 : f32 to vector<16xf32>
        %add3A_190 = arith.addf %exp3A, %add3A_189 : vector<16xf32>
        %add3A_191 = arith.addf %add3A_190, %mul3A_184 : vector<16xf32>
        %mul3A_192 = arith.mulf %add3A_191, %add3A_181 : vector<16xf32>
        %div3A_193 = arith.divf %add3A_187, %mul3A_192 : vector<16xf32>
        %mul3A_194 = arith.constant 16 : i32
        %mul3A_195 = arith.muli %scan3A_72, %mul3A_194 : i32
        %swap3A_196 = arith.index_cast %mul3A_195 : i32 to index
        %swap3A_197 = tpu.vector_load %arg7[%swap3A_196] {strides = array<i32>} : memref<4096xf32, #tpu.memory_space<vmem>>, vector<16xf32>,
        %swap3A_198 = vector.shape_cast %swap3A_197 : vector<16xf32> to vector<16xf32>
        %swap3A_199 = vector.shape_cast %div3A_193 : vector<16xf32> to vector<16xf32>
        tpu.vector_store %arg7[%swap3A_196], %swap3A_199 {strides = array<i32>} : memref<4096xf32, #tpu.memory_space<vmem>>, vector<16xf32>,
        %add3A_200 = arith.addf %scan3A_73, %div3A_193 : vector<16xf32>
        scf.yield %add3A_200 : vector<16xf32>
      }
      %scan3A_16 = arith.constant 256 : i32
      %swap3A = arith.constant 0 : index
      %swap3A_17 = tpu.vector_load %arg9[%swap3A] {strides = array<i32>} : memref<32xf32, #tpu.memory_space<vmem>>, vector<16xf32>,
      %swap3A_18 = vector.shape_cast %swap3A_17 : vector<16xf32> to vector<16xf32>
      %swap3A_19 = vector.shape_cast %scan3A_15 : vector<16xf32> to vector<16xf32>
      tpu.vector_store %arg9[%swap3A], %swap3A_19 {strides = array<i32>} : memref<32xf32, #tpu.memory_space<vmem>>, vector<16xf32>,
      %swap3A_20 = arith.constant 16 : index
      %swap3A_21 = tpu.vector_load %arg9[%swap3A_20] {strides = array<i32>} : memref<32xf32, #tpu.memory_space<vmem>>, vector<16xf32>,
      %swap3A_22 = vector.shape_cast %swap3A_21 : vector<16xf32> to vector<16xf32>
      %swap3A_23 = vector.shape_cast %scan3A_15 : vector<16xf32> to vector<16xf32>
      tpu.vector_store %arg9[%swap3A_20], %swap3A_23 {strides = array<i32>} : memref<32xf32, #tpu.memory_space<vmem>>, vector<16xf32>,
      %get3A = arith.constant 8 : index
      %get3A_24 = tpu.vector_load %arg9[%get3A] {strides = array<i32>} : memref<32xf32, #tpu.memory_space<vmem>>, vector<16xf32>,
      %get3A_25 = vector.shape_cast %get3A_24 : vector<16xf32> to vector<16xf32>
      %add3A_26 = arith.addf %scan3A_15, %get3A_25 : vector<16xf32>
      %swap3A_27 = arith.constant 0 : index
      %swap3A_28 = tpu.vector_load %arg9[%swap3A_27] {strides = array<i32>} : memref<32xf32, #tpu.memory_space<vmem>>, vector<16xf32>,
      %swap3A_29 = vector.shape_cast %swap3A_28 : vector<16xf32> to vector<16xf32>
      %swap3A_30 = vector.shape_cast %add3A_26 : vector<16xf32> to vector<16xf32>
      tpu.vector_store %arg9[%swap3A_27], %swap3A_30 {strides = array<i32>} : memref<32xf32, #tpu.memory_space<vmem>>, vector<16xf32>,
      %swap3A_31 = arith.constant 16 : index
      %swap3A_32 = tpu.vector_load %arg9[%swap3A_31] {strides = array<i32>} : memref<32xf32, #tpu.memory_space<vmem>>, vector<16xf32>,
      %swap3A_33 = vector.shape_cast %swap3A_32 : vector<16xf32> to vector<16xf32>
      %swap3A_34 = vector.shape_cast %add3A_26 : vector<16xf32> to vector<16xf32>
      tpu.vector_store %arg9[%swap3A_31], %swap3A_34 {strides = array<i32>} : memref<32xf32, #tpu.memory_space<vmem>>, vector<16xf32>,
      %get3A_35 = arith.constant 4 : index
      %get3A_36 = tpu.vector_load %arg9[%get3A_35] {strides = array<i32>} : memref<32xf32, #tpu.memory_space<vmem>>, vector<16xf32>,
      %get3A_37 = vector.shape_cast %get3A_36 : vector<16xf32> to vector<16xf32>
      %add3A_38 = arith.addf %add3A_26, %get3A_37 : vector<16xf32>
      %swap3A_39 = arith.constant 0 : index
      %swap3A_40 = tpu.vector_load %arg9[%swap3A_39] {strides = array<i32>} : memref<32xf32, #tpu.memory_space<vmem>>, vector<16xf32>,
      %swap3A_41 = vector.shape_cast %swap3A_40 : vector<16xf32> to vector<16xf32>
      %swap3A_42 = vector.shape_cast %add3A_38 : vector<16xf32> to vector<16xf32>
      tpu.vector_store %arg9[%swap3A_39], %swap3A_42 {strides = array<i32>} : memref<32xf32, #tpu.memory_space<vmem>>, vector<16xf32>,
      %swap3A_43 = arith.constant 16 : index
      %swap3A_44 = tpu.vector_load %arg9[%swap3A_43] {strides = array<i32>} : memref<32xf32, #tpu.memory_space<vmem>>, vector<16xf32>,
      %swap3A_45 = vector.shape_cast %swap3A_44 : vector<16xf32> to vector<16xf32>
      %swap3A_46 = vector.shape_cast %add3A_38 : vector<16xf32> to vector<16xf32>
      tpu.vector_store %arg9[%swap3A_43], %swap3A_46 {strides = array<i32>} : memref<32xf32, #tpu.memory_space<vmem>>, vector<16xf32>,
      %get3A_47 = arith.constant 2 : index
      %get3A_48 = tpu.vector_load %arg9[%get3A_47] {strides = array<i32>} : memref<32xf32, #tpu.memory_space<vmem>>, vector<16xf32>,
      %get3A_49 = vector.shape_cast %get3A_48 : vector<16xf32> to vector<16xf32>
      %add3A_50 = arith.addf %add3A_38, %get3A_49 : vector<16xf32>
      %swap3A_51 = arith.constant 0 : index
      %swap3A_52 = tpu.vector_load %arg9[%swap3A_51] {strides = array<i32>} : memref<32xf32, #tpu.memory_space<vmem>>, vector<16xf32>,
      %swap3A_53 = vector.shape_cast %swap3A_52 : vector<16xf32> to vector<16xf32>
      %swap3A_54 = vector.shape_cast %add3A_50 : vector<16xf32> to vector<16xf32>
      tpu.vector_store %arg9[%swap3A_51], %swap3A_54 {strides = array<i32>} : memref<32xf32, #tpu.memory_space<vmem>>, vector<16xf32>,
      %swap3A_55 = arith.constant 16 : index
      %swap3A_56 = tpu.vector_load %arg9[%swap3A_55] {strides = array<i32>} : memref<32xf32, #tpu.memory_space<vmem>>, vector<16xf32>,
      %swap3A_57 = vector.shape_cast %swap3A_56 : vector<16xf32> to vector<16xf32>
      %swap3A_58 = vector.shape_cast %add3A_50 : vector<16xf32> to vector<16xf32>
      tpu.vector_store %arg9[%swap3A_55], %swap3A_58 {strides = array<i32>} : memref<32xf32, #tpu.memory_space<vmem>>, vector<16xf32>,
      %get3A_59 = arith.constant 1 : index
      %get3A_60 = tpu.vector_load %arg9[%get3A_59] {strides = array<i32>} : memref<32xf32, #tpu.memory_space<vmem>>, vector<16xf32>,
      %get3A_61 = vector.shape_cast %get3A_60 : vector<16xf32> to vector<16xf32>
      %add3A_62 = arith.addf %add3A_50, %get3A_61 : vector<16xf32>
      %mul3A_63 = arith.constant 5.000000e-01 : f32
      %mul3A_64 = vector.broadcast %mul3A_63 : f32 to vector<16xf32>
      %mul3A_65 = arith.mulf %add3A_62, %mul3A_64 : vector<16xf32>
      %scan3A_66 = arith.constant 0 : i32
      %scan3A_67 = arith.constant 0 : i32
      %scan3A_68 = arith.constant 256 : i32
      %scan3A_69 = arith.addi %scan3A_67, %scan3A_68 : i32
      %scan3A_70 = arith.constant 1 : i32
      scf.for %scan3A_72 = %scan3A_67 to %scan3A_69 step %scan3A_70  : i32 {
        %mul3A_73 = arith.constant 16 : i32
        %mul3A_74 = arith.muli %scan3A_72, %mul3A_73 : i32
        %get3A_75 = arith.index_cast %mul3A_74 : i32 to index
        %get3A_76 = tpu.vector_load %arg7[%get3A_75] {strides = array<i32>} : memref<4096xf32, #tpu.memory_space<vmem>>, vector<16xf32>,
        %get3A_77 = vector.shape_cast %get3A_76 : vector<16xf32> to vector<16xf32>
        %gt3A = arith.cmpf ogt, %get3A_77, %mul3A_65 : vector<16xf32>
        %jit3A = arith.constant 1.000000e+00 : f32
        %jit3A_78 = arith.constant 0.000000e+00 : f32
        %broadcast_in_dim3A_79 = vector.broadcast %jit3A : f32 to vector<16xf32>
        %broadcast_in_dim3A_80 = vector.broadcast %jit3A_78 : f32 to vector<16xf32>
        %select_n3A = arith.select %gt3A, %broadcast_in_dim3A_79, %broadcast_in_dim3A_80 : vector<16xi1>, vector<16xf32>
        %mul3A_81 = arith.constant 16 : i32
        %mul3A_82 = arith.muli %scan3A_72, %mul3A_81 : i32
        %swap3A_83 = arith.index_cast %mul3A_82 : i32 to index
        %swap3A_84 = tpu.vector_load %arg8[%swap3A_83] {strides = array<i32>} : memref<4096xf32, #tpu.memory_space<vmem>>, vector<16xf32>,
        %swap3A_85 = vector.shape_cast %swap3A_84 : vector<16xf32> to vector<16xf32>
        %swap3A_86 = vector.shape_cast %select_n3A : vector<16xf32> to vector<16xf32>
        tpu.vector_store %arg8[%swap3A_83], %swap3A_86 {strides = array<i32>} : memref<4096xf32, #tpu.memory_space<vmem>>, vector<16xf32>,
      }
      %scan3A_71 = arith.constant 256 : i32
      "tpu.region"() ({
        %run_scoped3A = tpu.sem_alloc : memref<!tpu.dma_semaphore, #tpu.memory_space<semaphore_mem>>
        %dma_start3A = arith.constant 0 : i32
        %dma_start3A_72 = tpu.memref_slice %arg4[%add3A_9, %dma_start3A] : memref<128x4096xf32, #tpu.memory_space<hbm>> -> memref<1x4096xf32, #tpu.memory_space<hbm>>
        %dma_start3A_73 = tpu.memref_squeeze %dma_start3A_72 : memref<1x4096xf32, #tpu.memory_space<hbm>> -> memref<4096xf32, #tpu.memory_space<hbm>>
        %dma_start3A_74 = arith.constant 0 : i32
        %dma_start3A_75 = tpu.memref_slice %arg4[%add3A_9, %dma_start3A_74] : memref<128x4096xf32, #tpu.memory_space<hbm>> -> memref<1x4096xf32, #tpu.memory_space<hbm>>
        %dma_start3A_76 = tpu.memref_squeeze %dma_start3A_75 : memref<1x4096xf32, #tpu.memory_space<hbm>> -> memref<4096xf32, #tpu.memory_space<hbm>>
        tpu.enqueue_dma source(%arg8 : memref<4096xf32, #tpu.memory_space<vmem>>) target(%dma_start3A_76 : memref<4096xf32, #tpu.memory_space<hbm>>) target_semaphore(%run_scoped3A : memref<!tpu.dma_semaphore, #tpu.memory_space<semaphore_mem>>)
        %dma_wait3A = arith.constant 0 : i32
        %dma_wait3A_77 = tpu.memref_slice %arg4[%add3A_9, %dma_wait3A] : memref<128x4096xf32, #tpu.memory_space<hbm>> -> memref<1x4096xf32, #tpu.memory_space<hbm>>
        %dma_wait3A_78 = tpu.memref_squeeze %dma_wait3A_77 : memref<1x4096xf32, #tpu.memory_space<hbm>> -> memref<4096xf32, #tpu.memory_space<hbm>>
        %dma_wait3A_79 = arith.constant 0 : i32
        %dma_wait3A_80 = tpu.memref_slice %arg4[%add3A_9, %dma_wait3A_79] : memref<128x4096xf32, #tpu.memory_space<hbm>> -> memref<1x4096xf32, #tpu.memory_space<hbm>>
        %dma_wait3A_81 = tpu.memref_squeeze %dma_wait3A_80 : memref<1x4096xf32, #tpu.memory_space<hbm>> -> memref<4096xf32, #tpu.memory_space<hbm>>
        tpu.wait_dma2 semaphore(%run_scoped3A : memref<!tpu.dma_semaphore, #tpu.memory_space<semaphore_mem>>) src(%arg8 : memref<4096xf32, #tpu.memory_space<vmem>>) dst(%dma_wait3A_81 : memref<4096xf32, #tpu.memory_space<hbm>>)
        tpu.yield
      }) : () -> ()
    }
    %scan3A_7 = arith.constant 4 : i32
    return
  }
}

module attributes {stable_mosaic.version = 14 : i64} {
  func.func @_tc_body(%arg0: i32, %arg1: memref<128x4096xf32, #tpu.memory_space<vmem>>, %arg2: memref<128x4096xf32, #tpu.memory_space<vmem>>, %arg3: memref<128x4096xf32, #tpu.memory_space<vmem>>) attributes {dimension_semantics = [#tpu.dimension_semantics<arbitrary>], iteration_bounds = array<i64: 7>, scalar_prefetch = 0 : i64, scratch_operands = 0 : i64, tpu.core_type = #tpu.core_type<tc>, window_params = [{transform_indices = @transform_0, window_bounds = array<i64: 128, 4096>}, {transform_indices = @transform_1, window_bounds = array<i64: 128, 4096>}, {transform_indices = @transform_2, window_bounds = array<i64: 128, 4096>}]} {
    %get3A = arith.constant 0 : index
    %get3A_0 = arith.constant 0 : index
    %get3A_1 = vector.load %arg1[%get3A, %get3A_0] : memref<128x4096xf32, #tpu.memory_space<vmem>>, vector<128x4096xf32>
    %get3A_2 = arith.constant 0 : index
    %get3A_3 = arith.constant 0 : index
    %get3A_4 = vector.load %arg2[%get3A_2, %get3A_3] : memref<128x4096xf32, #tpu.memory_space<vmem>>, vector<128x4096xf32>
    %neg3A = arith.constant 0.000000e+00 : f32
    %neg3A_5 = vector.broadcast %neg3A : f32 to vector<128x4096xf32>
    %neg3A_6 = arith.subf %neg3A_5, %get3A_1 : vector<128x4096xf32>
    %exp3A = math.exp %neg3A_6 : vector<128x4096xf32>
    %add3A = arith.constant 9.99999993E-9 : f32
    %add3A_7 = vector.broadcast %add3A : f32 to vector<128x4096xf32>
    %add3A_8 = arith.addf %get3A_4, %add3A_7 : vector<128x4096xf32>
    %log3A = math.log %add3A_8 : vector<128x4096xf32>
    %neg3A_9 = arith.constant 0.000000e+00 : f32
    %neg3A_10 = vector.broadcast %neg3A_9 : f32 to vector<128x4096xf32>
    %neg3A_11 = arith.subf %neg3A_10, %log3A : vector<128x4096xf32>
    %add3A_12 = arith.constant 9.99999993E-9 : f32
    %add3A_13 = vector.broadcast %add3A_12 : f32 to vector<128x4096xf32>
    %add3A_14 = arith.addf %neg3A_11, %add3A_13 : vector<128x4096xf32>
    %mul3A = arith.constant 9.99999993E-9 : f32
    %mul3A_15 = vector.broadcast %mul3A : f32 to vector<128x4096xf32>
    %mul3A_16 = arith.mulf %mul3A_15, %exp3A : vector<128x4096xf32>
    %add3A_17 = arith.constant 1.000000e+00 : f32
    %add3A_18 = vector.broadcast %add3A_17 : f32 to vector<128x4096xf32>
    %add3A_19 = arith.addf %add3A_18, %mul3A_16 : vector<128x4096xf32>
    %add3A_20 = arith.constant 9.99999993E-9 : f32
    %add3A_21 = vector.broadcast %add3A_20 : f32 to vector<128x4096xf32>
    %add3A_22 = arith.addf %exp3A, %add3A_21 : vector<128x4096xf32>
    %add3A_23 = arith.addf %add3A_22, %mul3A_16 : vector<128x4096xf32>
    %mul3A_24 = arith.mulf %add3A_23, %add3A_14 : vector<128x4096xf32>
    %div3A = arith.divf %add3A_19, %mul3A_24 : vector<128x4096xf32>
    %reduce_sum3A = arith.constant dense<0.000000e+00> : vector<128xf32>
    %reduce_sum3A_25 = vector.multi_reduction <add>, %div3A, %reduce_sum3A [1] : vector<128x4096xf32> to vector<128xf32>
    %broadcast_in_dim3A = vector.shape_cast %reduce_sum3A_25 : vector<128xf32> to vector<128x1xf32>
    %mul3A_26 = arith.constant 5.000000e-01 : f32
    %mul3A_27 = vector.broadcast %mul3A_26 : f32 to vector<128x1xf32>
    %mul3A_28 = arith.mulf %mul3A_27, %broadcast_in_dim3A : vector<128x1xf32>
    %gt3A = vector.broadcast %mul3A_28 : vector<128x1xf32> to vector<128x4096xf32>
    %gt3A_29 = arith.cmpf ogt, %div3A, %gt3A : vector<128x4096xf32>
    %convert_element_type3A = arith.extui %gt3A_29 : vector<128x4096xi1> to vector<128x4096xi32>
    %convert_element_type3A_30 = arith.sitofp %convert_element_type3A : vector<128x4096xi32> to vector<128x4096xf32>
    %swap3A = arith.constant 0 : index
    %swap3A_31 = arith.constant 0 : index
    %swap3A_32 = vector.load %arg3[%swap3A, %swap3A_31] : memref<128x4096xf32, #tpu.memory_space<vmem>>, vector<128x4096xf32>
    tpu.vector_store %arg3[%swap3A, %swap3A_31], %convert_element_type3A_30 {strides = array<i32>} : memref<128x4096xf32, #tpu.memory_space<vmem>>, vector<128x4096xf32>,
    return
  }
  func.func @transform_0(%arg0: i32) -> (i32, i32) {
    %c0_i32 = arith.constant 0 : i32
    %c0_i32_0 = arith.constant 0 : i32
    return %arg0, %c0_i32 : i32, i32
  }
  func.func @transform_1(%arg0: i32) -> (i32, i32) {
    %c0_i32 = arith.constant 0 : i32
    %c0_i32_0 = arith.constant 0 : i32
    return %arg0, %c0_i32 : i32, i32
  }
  func.func @transform_2(%arg0: i32) -> (i32, i32) {
    %c0_i32 = arith.constant 0 : i32
    %c0_i32_0 = arith.constant 0 : i32
    return %arg0, %c0_i32 : i32, i32
  }
}

</mosaic_0001>

<sc_bundles>
// kernel: kernel.4.cloned.1.call-start
scs
__scs_entry_jumppad:
0x0: {  	(pc) =	sbr.rel $0x88, $3  }
0x1: {  	(tag) =	ssettag $0x0;
	lr =	simm.s32 $0x1  }
0x2: {  	[smem:$0x3F9F] =	sst lr;
	_ =	strace $0xD0000000  }
0x3: {  	_ = 	snop  }
0x4: {  	_ = 	snop  }
0x5: {  	_ = 	snop  }
0x6: {  	_ = 	snop  }
0x7: {  	_ = 	snop  }
__scs_overlays_trampoline_lowered:
0x8: {  	[smem:$0x3FAE] =	sst s0  }
0x9: {  	[smem:$0x3FAF] =	sst s1  }
0xa: {  	[smem:$0x3FB0] =	sst s2  }
0xb: {  	[smem:$0x3FB1] =	sst s3  }
0xc: {  	[smem:$0x3FB2] =	sst s4  }
0xd: {  	[smem:$0x3FB3] =	sst s5  }
0xe: {  	[smem:$0x3FB4] =	sst s6  }
0xf: {  	[smem:$0x3FB5] =	sst s7  }
0x10: {  	[smem:$0x3FB6] =	sst s8  }
0x11: {  	[smem:$0x3FB7] =	sst s9;
	s0 =	simm.s32 @!p0 $0x0  }
0x12: {  	s1 =	sld [smem:$0x3F9D];
	s0 =	simm.s32 @p0 $0x1  }
0x13: {  	[smem:$0x3FB8] =	sst s0;
	s0 =	simm.s32 @!p1 $0x0  }
0x14: {  	s2 =	sld [smem:$0x3F9C];
	s0 =	simm.s32 @p1 $0x1  }
0x15: {  	[smem:$0x3FB9] =	sst s0;
	s0 =	simm.s32 @!p2 $0x0  }
0x16: {  	s3 =	sld [smem:$0x3FDB];
	s0 =	simm.s32 @p2 $0x1  }
0x17: {  	s4 =	simm.s32 $0x1BF5;
	[smem:$0x3FBB] =	sst s0  }
0x18: {  	s0 =	sld [smem:$0x3F9E];
	_ =	swait.ge [sflag:s4], $0x0  }
0x19: {  	s7 =	sld [smem:$0x3F9F]  }
0x1a: {  	s8 =	sadd.s32 $0xFFFFE003, lr  }
0x1b: {  	s9 =	sadd.s32 $0xFFFFFEF7, lr;
	s5 =	simm.s32 $0xFFFFFFFF;
	p2 =	slt.u32 s8, $0xFFFFF086  }
0x1c: {  	p1 =	slt.u32 s9, $0xF7A;
	s5 =	simm.s32 @!p2 $0x0  }
0x1d: {  	s5 =	simm.s32 @p1 $0x1;
	p0 =	seq.s32 s7, s2  }
0x1e: {  	s7 =	smul.u32 @!p0 $0xF7A, s2;
	p2 =	seq.s32 @!p0 s5, $0x0  }
0x1f: {  	s9 =	smul.u32 $0xF7A, s1;
	s8 =	simm.s32 @!p0 $0x1BF5;
	p2 =	por !p2, p0  }
0x20: {  	[sflag:s8] =	ssyncset.s32 @!p0 $0xFFFFF086;
	s6 =	sadd.s32 @!p0 s3, s7;
	s7 =	simm.s32 @!p0 $0x108  }
0x21: {  	s3 =	sadd.s32 s3, s9;
	s6 =	sadd.s32 @!p0 $0x88, s6;
	s7 =	simm.s32 @p2 $0x1082  }
0x22: {  	[simem:s7], [sflag:s8] =	dma.local @!p0 [hbm:s6], $0xF7A  }
0x23: {  	s9 =	sor.u32 $0xD0000000, s2;
	s6 =	simm.s32 $0x108;
	_ =	swait.ge @!p0 [sflag:s8], $0x0  }
0x24: {  	s3 =	sadd.s32 $0x88, s3;
	s6 =	simm.s32 @!p1 $0x1082;
	[sflag:s4] =	ssyncset.s32 $0xFFFFF086  }
0x25: {  	[simem:s6], [sflag:s4] =	dma.local [hbm:s3], $0xF7A  }
0x26: {  	[smem:$0x3F9F] =	sst s1;
	(tag) =	ssettag s2;
	_ =	strace s9  }
0x27: {  	s1 =	sld [smem:$0x3FAF]  }
0x28: {  	s2 =	sld [smem:$0x3FB0]  }
0x29: {  	s4 =	sld [smem:$0x3FB2]  }
0x2a: {  	p0 =	seq.s32 s5, $0x0;
	s5 =	sld [smem:$0x3FB3]  }
0x2b: {  	s6 =	sld [smem:$0x3FB4]  }
0x2c: {  	s7 =	sld [smem:$0x3FB5]  }
0x2d: {  	s3 =	simm.s32 $0x108;
	s8 =	sld [smem:$0x3FB6]  }
0x2e: {  	s3 =	simm.s32 @!p0 $0x1082;
	s9 =	sld [smem:$0x3FB7]  }
0x2f: {  	lr =	sadd.s32 s0, s3;
	s0 =	sld [smem:$0x3FAE]  }
0x30: {  	s3 =	sld [smem:$0x3FB1]  }
0x31: {  	[smem:$0x3FBA] =	sst s10  }
0x32: {  	s10 =	sld [smem:$0x3FB8];
	_ =	sdelay $0x3  }
0x33: {  	p0 =	seq.s32 s10, $0x1;
	s10 =	sld [smem:$0x3FBA];
	_ =	sdelay $0x3  }
0x34: {  	[smem:$0x3FBA] =	sst s10  }
0x35: {  	s10 =	sld [smem:$0x3FB9];
	_ =	sdelay $0x3  }
0x36: {  	p1 =	seq.s32 s10, $0x1;
	s10 =	sld [smem:$0x3FBA];
	_ =	sdelay $0x3  }
0x37: {  	[smem:$0x3FBA] =	sst s10  }
0x38: {  	s10 =	sld [smem:$0x3FBB]  }
0x39: {  	_ = 	snop;
	(pc) =	sbr.ind lr, $3  }
0x3a: {  	_ = 	snop  }
0x3b: {  	_ = 	snop  }
0x3c: {  	p2 =	seq.s32 s10, $0x1;
	s10 =	sld [smem:$0x3FBA]  }
0x3d: {  	_ =	shalt  }
0x3e: {  	_ =	shalt  }
0x3f: {  	_ =	shalt  }
0x40: {  	_ =	shalt  }
0x41: {  	_ =	shalt  }
0x42: {  	_ =	shalt  }
0x43: {  	_ =	shalt  }
0x44: {  	_ =	shalt  }
0x45: {  	_ =	shalt  }
0x46: {  	_ =	shalt  }
0x47: {  	_ =	shalt  }
0x48: {  	_ =	shalt  }
0x49: {  	_ =	shalt  }
0x4a: {  	_ =	shalt  }
0x4b: {  	_ =	shalt  }
0x4c: {  	_ =	shalt  }
0x4d: {  	_ =	shalt  }
0x4e: {  	_ =	shalt  }
0x4f: {  	_ =	shalt  }
0x50: {  	_ =	shalt  }
0x51: {  	_ =	shalt  }
0x52: {  	_ =	shalt  }
0x53: {  	_ =	shalt  }
0x54: {  	_ =	shalt  }
0x55: {  	_ =	shalt  }
0x56: {  	_ =	shalt  }
0x57: {  	_ =	shalt  }
0x58: {  	_ =	shalt  }
0x59: {  	_ =	shalt  }
0x5a: {  	_ =	shalt  }
0x5b: {  	_ =	shalt  }
0x5c: {  	_ =	shalt  }
0x5d: {  	_ =	shalt  }
0x5e: {  	_ =	shalt  }
0x5f: {  	_ =	shalt  }
0x60: {  	_ =	shalt  }
0x61: {  	_ =	shalt  }
0x62: {  	_ =	shalt  }
0x63: {  	_ =	shalt  }
0x64: {  	_ =	shalt  }
0x65: {  	_ =	shalt  }
0x66: {  	_ =	shalt  }
0x67: {  	_ =	shalt  }
0x68: {  	_ =	shalt  }
0x69: {  	_ =	shalt  }
0x6a: {  	_ =	shalt  }
0x6b: {  	_ =	shalt  }
0x6c: {  	_ =	shalt  }
0x6d: {  	_ =	shalt  }
0x6e: {  	_ =	shalt  }
0x6f: {  	_ =	shalt  }
0x70: {  	_ =	shalt  }
0x71: {  	_ =	shalt  }
0x72: {  	_ =	shalt  }
0x73: {  	_ =	shalt  }
0x74: {  	_ =	shalt  }
0x75: {  	_ =	shalt  }
0x76: {  	_ =	shalt  }
0x77: {  	_ =	shalt  }
0x78: {  	_ =	shalt  }
0x79: {  	_ =	shalt  }
0x7a: {  	_ =	shalt  }
0x7b: {  	_ =	shalt  }
0x7c: {  	_ =	shalt  }
0x7d: {  	_ =	shalt  }
0x7e: {  	_ =	shalt  }
0x7f: {  	_ =	shalt  }
0x80: {  	_ =	shalt  }
0x81: {  	_ =	shalt  }
0x82: {  	_ =	shalt  }
0x83: {  	_ =	shalt  }
0x84: {  	_ =	shalt  }
0x85: {  	_ =	shalt  }
0x86: {  	_ =	shalt  }
0x87: {  	_ =	shalt  }
.Lfunc_end0:
.L_simem_size_0:
called_computation_lowered:
.L_overlay_start_0:
0x88: {  	s2 =	sld [smem:$0x3FD9]  }
0x89: {  	s3 =	sld [smem:$0x3FFE];
	_ =	sdelay $0x1  }
0x8a: {  	s1 =	srdreg.scid  }
0x8b: {  	s0 =	sand.u32 $0x1, s1  }
0x8c: {  	s16 =	sshll.u32 s0, $0xA;
	s2 =	sadd.s32 s3, s2  }
0x8d: {  	s2 =	sadd.s32 s2, s16  }
0x8e: {  	[smem:$0x3FC6] =	sst s2  }
0x8f: {  	_ = 	snop  }
0x90: {  	(tm) =	ssettm $0x1  }
0x91: {  	s17 =	sld [smem:$0x3FFB];
	_ =	sdelay $0x3  }
0x92: {  	_ =	strace s17  }
0x93: {  	s2 =	sld [smem:$0x3FFC];
	_ =	sdelay $0x3  }
0x94: {  	_ =	strace s2  }
0x95: {  	s2 =	sld [smem:$0x3FFD];
	_ =	sdelay $0x3  }
0x96: {  	_ =	strace s2  }
0x97: {  	_ =	strace $0x8FFFFFFF  }
0x98: {  	s18 =	sld [smem:$0x3FDB];
	_ =	sdelay $0x1  }
0x99: {  	s19 =	simm.s32 $_scs_section_size  }
0x9a: {  	s4 =	simm.s32 $_size__tile_overlayer_lowered;
	s5 =	simm.s32 $_tile_overlayer_lowered  }
0x9b: {  	s22 =	simm.s32 $0x1BFF;
	s21 =	sshll.u32 s5, $0x1;
	s2 =	sadd.s32 s19, s18  }
0x9c: {  	s6 =	simm.s32 $0x0;
	s20 =	sshll.u32 s4, $0x1;
	s4 =	sadd.s32 s21, s2  }
0x9d: {  	[timem:s6], [sflag:s22] =	dma.local [hbm:s4], s20  }
0x9e: {  	_ =	swait.ge [sflag:s22], s20  }
0x9f: {  	s3 =	ssub.s32 $0x0, s20;
	[sflag:s22] =	ssyncset.done $0x0  }
0xa0: {  	[sflag:s22] =	ssyncadd.s32 s3;
	_ =	sdelay $0x1  }
0xa1: {  	s23 =	simm.s32 $0x1B8B  }
0xa2: {  	_ =	swait.ge [sflag:s23], $0x1  }
0xa3: {  	[sflag:s23] =	ssyncset.done $0x0  }
0xa4: {  	s25 =	simm.s32 $0x1B8E;
	s24 =	sld [smem:$0x3FFE];
	[sflag:s23] =	ssyncadd.s32 $0xFFFFFFFF  }
0xa5: {  	s26 =	simm.s32 $execute0_lowered;
	[smem:$0x3FD2] =	sst s25  }
0xa6: {  	s4 =	sshll.u32 s26, $0x1;
	_ =	strace $0x80000046;
	[dreg:$0x1] =	wrdreg $0xFFFFFFFF  }
0xa7: {  	s28 =	simm.s32 $_size_execute0_lowered;
	s2 =	sadd.s32 s2, s4;
	[dreg:$0x0] =	wrdreg $0x0  }
0xa8: {  	s4 =	sshll.u32 s28, $0x1;
	[dreg:$0x2] =	wrdreg s2  }
0xa9: {  	[dreg:$0x3] =	wrdreg s4  }
0xaa: {  	[dreg:$0x4] =	wrdreg $0xC0  }
0xab: {  	_ =	task [dreg:s6], $0x5FFFF  }
0xac: {  	[dreg:$0x1] =	wrdreg $0xFFFFFFFF  }
0xad: {  	[dreg:$0x0] =	wrdreg $0x60  }
0xae: {  	[dreg:$0x2] =	wrdreg s24  }
0xaf: {  	[dreg:$0x3] =	wrdreg $0x9  }
0xb0: {  	_ =	task.clear_ibuf [dreg:s6], $0x4FFFF;
	_ =	strace $0x90000046  }
0xb1: {  	s29 =	simm.s32 $0x9;
	_ =	strace $0x80000048  }
0xb2: {  	_ =	swait.ge [sflag:s29], $0x1  }
0xb3: {  	[sflag:s29] =	ssyncadd.s32 $0xFFFFFFFF  }
0xb4: {  	_ =	strace $0x90000048  }
0xb5: {  	_ =	sfence  }
0xb6: {  	s30 =	sld [smem:$0x0];
	_ =	sdelay $0x2  }
0xb7: {  	s31 =	sshll.u32 s1, $0xD;
	s1 =	sshrl.u32 s1, $0x2  }
0xb8: {  	s3 =	sand.u32 $0x4000, s31;
	s1 =	sadd.s32 s1, s30  }
0xb9: {  	s0 =	sor.u32 s3, s0;
	s1 =	sshll.u32 s1, $0x11  }
0xba: {  	s0 =	sor.u32 s1, s0  }
0xbb: {  	s0 =	sadd.s32 $0x8F2B, s0  }
0xbc: {  	[sflag:s0] =	ssyncadd.remote.s32 $0x1  }
0xbd: {  	_ =	sfence.sel $0xFFFF  }
0xbe: {  	[dreg:$0x0] =	wrdreg $0xFFFFFFFF;
	(pc) =	sbr.abs _section_cstart, $3  }
0xbf: {  	[dreg:$0x1] =	wrdreg $0xFFFFFFFF  }
0xc0: {  	_ =	task.clear_ibuf [dreg:s6], $0x2FFFF;
	_ =	strace $0x9FFFFFFF  }
0xc1: {  	(tm) =	ssettm $0x7FFFFFFF  }
tec
execute0_lowered:
.L_overlay_start_1:
0x0: {  	(tag) =	ssettag $0x1  }
0x1: {  	s5 =	rddreg [dreg:$0x0]  }
0x2: {  	s0 =	rddreg [dreg:$0x1]  }
0x3: {  	s1 =	simm.s32 $0x0;
	s2 =	srdreg.scid;
	s10 =	simm.s32 $0x1  }
0x4: {  	s11 =	simm.s32 $0x1000;
	s12 =	simm.s32 $0x3000;
	[smem:$0x7FF] =	sst s1  }
0x5: {  	s3 =	sadd.s32 $0x1600, s5;
	s6 =	sand.u32 $0x1, s2;
	s4 =	sadd.s32 $0x11600, s5  }
0x6: {  	s2 =	stileid.u32;
	s5 =	sadd.s32 $0x21600, s5;
	s7 =	ssub.s32 $0x2, s6  }
0x7: {  	s9 =	sshll.u32 s2, $0xC;
	s6 =	sshll.u32 s6, $0x6;
	s8 =	sshrl.u32 s7, $0x1  }
0x8: {  	_ =	strace $0x80000047;
	s6 =	sor.u32 s9, s6;
	s7 =	ssub.s32 s7, s8  }
0x9: {  	v0 =	vimm.f32 $0.0e+00;
	s9 =	simm.s32 $0x400;
	s8 =	simm.s32 $0x80;
	s7 =	smax.u32 s7, $0x1  }
.LBB2_1:
0xa: {  	s13 =	simm.s32 $0x0  }
.LBB2_2:
0xb: {  	s14 =	sshll.u32 s13, $0x4  }
0xc: {  	s14 =	sadd.s32 s6, s14  }
0xd: {  	s16 =	simm.s32 $0x0;
	s15 =	sadd.s32 s3, s14  }
0xe: {  	[tilespmem:s16], [sflag:$0x1] =	stream.strided.gather [hbm4b:s15+s8], $0x1000, s9, s8, $0x38;
	[tilespmem:$0x4080] =	vst v63  }
0xf: {  	_ =	swait.ge [sflag:s10], $0x1000  }
0x10: {  	[sflag:s10] =	ssyncset.done $0x0  }
0x11: {  	s31 =	sadd.s32 s4, s14;
	[sflag:s10] =	ssyncadd.s32 $0xFFFFF000  }
0x12: {  	[tilespmem:s11], [sflag:$0x1] =	stream.strided.gather [hbm4b:s31+s8], $0x1000, s9, s8, $0x38;
	[tilespmem:$0x4080] =	vst v63  }
0x13: {  	_ =	swait.ge [sflag:s10], $0x1000  }
0x14: {  	[sflag:s10] =	ssyncset.done $0x0  }
0x15: {  	s15 =	simm.s32 $0x0;
	[sflag:s10] =	ssyncadd.s32 $0xFFFFF000  }
0x16: {  	v1 =	vld [tilespmem:s15+$0x1000];
	_ =	sdelay $0x4  }
0x17: {  	v1 =	vadd.f32 $9.999999930e-09, v1;
	_ =	sdelay $0x1  }
0x18: {  	v2 =	vmul.f32 $6.553600000e+04, v1  }
0x19: {  	vm0 =	vlt.f32 v1, $2.288818360e-05  }
0x1a: {  	v1 =	vsel vm0, v2, v1  }
0x1b: {  	v2 =	vmul.f32 $2.560000000e+02, v1  }
0x1c: {  	vm1 =	vlt.f32 v1, $5.859375000e-03  }
0x1d: {  	s16 =	simm.s32 $0x10;
	v1 =	vsel vm1, v2, v1  }
0x1e: {  	v3 =	vld [tilespmem:s16+$0x1000];
	v2 =	vmul.f32 $1.600000000e+01, v1  }
0x1f: {  	v4 =	vld [tilespmem:s15+$0x0];
	vm2 =	vlt.f32 v1, $9.375000000e-02  }
0x20: {  	v1 =	vsel vm2, v2, v1  }
0x21: {  	v2 =	vmul.f32 $4.000000000e+00, v1  }
0x22: {  	vm3 =	vlt.f32 v1, $3.750000000e-01  }
0x23: {  	v1 =	vsel vm3, v2, v1;
	v2 =	vadd.f32 $9.999999930e-09, v3  }
0x24: {  	v3 =	vsub.f32 $0.0e+00, v4;
	v4 =	vsel vm0, $0x41800000, v0;
	v5 =	vadd.f32 v1, v1  }
0x25: {  	v6 =	vadd.f32 $8.000000000e+00, v4;
	vm0 =	vlt.f32 v1, $7.500000000e-01;
	v7 =	vmul.f32 $6.553600000e+04, v2  }
0x26: {  	v3 =	vmul.f32 $1.442695020e+00, v3;
	vm4 =	vlt.f32 v2, $2.288818360e-05;
	v1 =	vsel vm0, v5, v1  }
0x27: {  	v4 =	vsel vm1, v6, v4;
	v5 =	vadd.f32 $1.000000000e+00, v1;
	v2 =	vsel vm4, v7, v2  }
0x28: {  	(erf) = vpow2.f32 v3;
	v6 =	vadd.f32 $4.000000000e+00, v4;
	v3 =	vmul.f32 $2.560000000e+02, v2  }
0x29: {  	vm1 =	vlt.f32 v2, $5.859375000e-03  }
0x2a: {  	(erf) = vrcp.f32 v5;
	v2 =	vsel vm1, v3, v2;
	v3 =	vsel vm2, v6, v4;
	v4 =	vld [tilespmem:s16+$0x0]  }
0x2b: {  	v7 =	vsel vm4, $0x41800000, v0;
	v5 =	vmul.f32 $1.600000000e+01, v2  }
0x2c: {  	v8 =	vadd.f32 $8.000000000e+00, v7;
	v6 =	vadd.f32 $2.000000000e+00, v3;
	vm2 =	vlt.f32 v2, $9.375000000e-02  }
0x2d: {  	s17 =	simm.s32 $0x20;
	v2 =	vsel vm2, v5, v2  }
0x2e: {  	v7 =	vsel vm1, v8, v7;
	v3 =	vsel vm3, v6, v3;
	v6 =	vld [tilespmem:s17+$0x1000];
	v5 =	vmul.f32 $4.000000000e+00, v2  }
0x2f: {  	v8 =	vadd.f32 $4.000000000e+00, v7;
	v4 =	vsub.f32 $0.0e+00, v4  }
0x30: {  	vm1 =	vlt.f32 v2, $3.750000000e-01;
	v9 =	vadd.f32 $1.000000000e+00, v3  }
0x31: {  	v1 =	vadd.f32 $-1.000000000e+00, v1;
	v2 =	vsel vm1, v5, v2;
	v4 =	vmul.f32 $1.442695020e+00, v4  }
0x32: {  	v7 =	vsel vm2, v8, v7;
	v3 =	vsel vm0, v9, v3;
	v10 =	vadd.f32 v2, v2;
	v5 =	vpop (erf)  }
0x33: {  	vm2 =	vlt.f32 v2, $7.500000000e-01;
	v6 =	vadd.f32 $9.999999930e-09, v6;
	v8 =	vpop (erf);
	(erf) = vpow2.f32 v4  }
0x34: {  	v2 =	vsel vm2, v10, v2;
	v19 =	vmul.f32 $9.999999930e-09, v5;
	v8 =	vmul.f32 v8, v1  }
0x35: {  	v11 =	vld [tilespmem:s17+$0x0];
	v1 =	vadd.f32 $2.000000000e+00, v7;
	v4 =	vadd.f32 $1.000000000e+00, v2;
	v10 =	vmul.f32 $6.553600000e+04, v6  }
0x36: {  	vm0 =	vlt.f32 v6, $2.288818360e-05;
	v12 =	vadd.f32 $-1.000000000e+00, v2;
	v9 =	vmul.f32 v8, v8  }
0x37: {  	v13 =	vsel vm0, $0x41800000, v0;
	(erf) = vrcp.f32 v4;
	v6 =	vsel vm0, v10, v6  }
0x38: {  	v7 =	vsel vm1, v1, v7;
	v2 =	vmul.f32 $2.560000000e+02, v6;
	v4 =	vmul.f32 $1.111111120e-01, v9  }
0x39: {  	v15 =	vadd.f32 $8.000000000e+00, v13;
	vm0 =	vlt.f32 v6, $5.859375000e-03;
	v14 =	vadd.f32 $1.000000000e+00, v7  }
0x3a: {  	v2 =	vsel vm0, v2, v6;
	v6 =	vsub.f32 $0.0e+00, v11;
	v4 =	vadd.f32 $1.428571490e-01, v4  }
0x3b: {  	v14 =	vsel vm2, v14, v7;
	v7 =	vsel vm0, v15, v13;
	v11 =	vmul.f32 $1.600000000e+01, v2  }
0x3c: {  	vm0 =	vlt.f32 v2, $9.375000000e-02;
	v15 =	vadd.f32 $4.000000000e+00, v7;
	v4 =	vmul.f32 v4, v9  }
0x3d: {  	s18 =	simm.s32 $0x30;
	v1 =	vimm.f32 $0.0e+00;
	v10 =	vadd.f32 $9.999999930e-09, v5;
	v11 =	vsel vm0, v11, v2  }
0x3e: {  	v17 =	vld [tilespmem:s18+$0x1000];
	v8 =	vadd.f32 v8, v8;
	v16 =	vmul.f32 $4.000000000e+00, v11;
	v4 =	vadd.f32 $2.000000030e-01, v4  }
0x3f: {  	v6 =	vmul.f32 $1.442695020e+00, v6;
	v13 =	vpop (erf);
	v7 =	vsel vm0, v15, v7;
	vm0 =	vlt.f32 v11, $3.750000000e-01  }
0x40: {  	v2 =	vadd.f32 $9.999999930e-09, v13;
	v15 =	vpop (erf);
	v11 =	vsel vm0, v16, v11;
	v4 =	vmul.f32 v4, v9  }
0x41: {  	(erf) = vpow2.f32 v6;
	v16 =	vld [tilespmem:s18+$0x0];
	v12 =	vmul.f32 v15, v12;
	v6 =	vadd.f32 v11, v11  }
0x42: {  	v18 =	vadd.f32 $2.000000000e+00, v7;
	vm1 =	vlt.f32 v11, $7.500000000e-01;
	v4 =	vadd.f32 $3.333333430e-01, v4  }
0x43: {  	v15 =	vmul.f32 v12, v12;
	v6 =	vsel vm1, v6, v11;
	v11 =	vadd.f32 $9.999999930e-09, v17  }
0x44: {  	v7 =	vsel vm0, v18, v7;
	v4 =	vmul.f32 v4, v9;
	v9 =	vadd.f32 $1.000000000e+00, v6  }
0x45: {  	v18 =	vadd.f32 $-1.000000000e+00, v6;
	v17 =	vmul.f32 $1.111111120e-01, v15;
	v5 =	vmul.f32 $6.553600000e+04, v11  }
0x46: {  	vm0 =	vlt.f32 v11, $2.288818360e-05;
	v16 =	vsub.f32 $0.0e+00, v16;
	(erf) = vrcp.f32 v9  }
0x47: {  	v6 =	vadd.f32 $1.428571490e-01, v17;
	v9 =	vmul.f32 $6.931471820e-01, v3;
	v11 =	vsel vm0, v5, v11  }
0x48: {  	v3 =	vadd.f32 $1.000000000e+00, v7;
	v17 =	vsel vm0, $0x41800000, v0;
	v20 =	vmul.f32 $2.560000000e+02, v11  }
0x49: {  	v4 =	vadd.f32 $1.000000000e+00, v4;
	v21 =	vadd.f32 $8.000000000e+00, v17;
	vm0 =	vlt.f32 v11, $5.859375000e-03  }
0x4a: {  	v5 =	vsel vm1, v3, v7;
	v3 =	vmul.f32 v6, v15;
	v7 =	vsel vm0, v20, v11  }
0x4b: {  	v11 =	vmul.f32 v4, v8;
	v8 =	vsel vm0, v21, v17;
	v17 =	vmul.f32 $1.600000000e+01, v7  }
0x4c: {  	v16 =	vmul.f32 $1.442695020e+00, v16;
	v20 =	vadd.f32 $4.000000000e+00, v8;
	vm0 =	vlt.f32 v7, $9.375000000e-02  }
0x4d: {  	v13 =	vmul.f32 $9.999999930e-09, v13;
	v3 =	vadd.f32 $2.000000030e-01, v3;
	v17 =	vsel vm0, v17, v7  }
0x4e: {  	v6 =	vpop (erf);
	(erf) = vpow2.f32 v16;
	v20 =	vsel vm0, v20, v8;
	v8 =	vmul.f32 $4.000000000e+00, v17  }
0x4f: {  	s19 =	simm.s32 $0x40;
	v16 =	vadd.f32 v12, v12;
	v21 =	vmul.f32 v3, v15;
	vm0 =	vlt.f32 v17, $3.750000000e-01;
	v7 =	vpop (erf)  }
0x50: {  	v3 =	vadd.f32 $1.000000000e+00, v19;
	v17 =	vsel vm0, v8, v17;
	v7 =	vmul.f32 v7, v18;
	v18 =	vld [tilespmem:s19+$0x1000]  }
0x51: {  	v23 =	vld [tilespmem:s19+$0x0];
	v12 =	vmul.f32 $6.931471820e-01, v14;
	v19 =	vadd.f32 v19, v10;
	v10 =	vadd.f32 v17, v17  }
0x52: {  	v4 =	vadd.f32 $9.999999930e-09, v6;
	v21 =	vadd.f32 $3.333333430e-01, v21;
	vm1 =	vlt.f32 v17, $7.500000000e-01  }
0x53: {  	v9 =	vsub.f32 v9, v11;
	v22 =	vadd.f32 $2.000000000e+00, v20;
	v10 =	vsel vm1, v10, v17  }
0x54: {  	v8 =	vmul.f32 v7, v7;
	v17 =	vmul.f32 v21, v15;
	v15 =	vadd.f32 $-1.000000000e+00, v10  }
0x55: {  	v20 =	vsel vm0, v22, v20;
	v10 =	vadd.f32 $1.000000000e+00, v10;
	v18 =	vadd.f32 $9.999999930e-09, v18  }
0x56: {  	v22 =	vsub.f32 $0.0e+00, v23;
	v14 =	vadd.f32 $1.000000000e+00, v20;
	v11 =	vmul.f32 $1.111111120e-01, v8  }
0x57: {  	v17 =	vadd.f32 $1.000000000e+00, v17;
	(erf) = vrcp.f32 v10;
	v21 =	vmul.f32 $6.553600000e+04, v18  }
0x58: {  	v10 =	vsel vm1, v14, v20;
	v11 =	vadd.f32 $1.428571490e-01, v11;
	vm0 =	vlt.f32 v18, $2.288818360e-05  }
0x59: {  	v14 =	vmul.f32 v17, v16;
	v20 =	vsel vm0, $0x41800000, v0;
	v18 =	vsel vm0, v21, v18  }
0x5a: {  	v17 =	vadd.f32 $8.000000000e+00, v20;
	v21 =	vmul.f32 $1.442695020e+00, v22;
	v16 =	vmul.f32 $2.560000000e+02, v18  }
0x5b: {  	v23 =	vadd.f32 $9.999999930e-09, v9;
	v11 =	vmul.f32 v11, v8;
	vm0 =	vlt.f32 v18, $5.859375000e-03  }
0x5c: {  	v9 =	vpop (erf);
	v17 =	vsel vm0, v17, v20;
	(erf) = vpow2.f32 v21;
	v22 =	vsel vm0, v16, v18  }
0x5d: {  	v16 =	vadd.f32 $9.999999930e-09, v9;
	v24 =	vadd.f32 $4.000000000e+00, v17;
	v20 =	vmul.f32 $1.600000000e+01, v22  }
0x5e: {  	v18 =	vmul.f32 v23, v19;
	v19 =	vadd.f32 $2.000000030e-01, v11;
	vm0 =	vlt.f32 v22, $9.375000000e-02  }
0x5f: {  	v11 =	vadd.f32 $1.000000000e+00, v13;
	v17 =	vsel vm0, v24, v17;
	v20 =	vsel vm0, v20, v22  }
0x60: {  	s20 =	simm.s32 $0x140;
	v21 =	vpop (erf);
	v19 =	vmul.f32 v19, v8;
	vm0 =	vlt.f32 v20, $3.750000000e-01;
	v22 =	vmul.f32 $4.000000000e+00, v20  }
.LBB2_3:
0x61: {  	s21 =	sshra.s32 s20, $0x2;
	p0 =	sne.s32 s20, $0x3FC0;
	s20 =	sadd.s32 $0x40, s20;
	v23 =	vadd.f32 $2.000000000e+00, v17;
	v15 =	vmul.f32 v21, v15;
	(erf) = vrcp.f32 v18  }
0x62: {  	v21 =	vadd.f32 v13, v2;
	v2 =	vmovc v4;
	v4 =	vmovc v16;
	v18 =	vld [tilespmem:s21+$0x1000];
	v20 =	vsel vm0, v22, v20;
	v19 =	vadd.f32 $3.333333430e-01, v19  }
0x63: {  	v22 =	vadd.f32 v7, v7;
	v13 =	vadd.f32 v20, v20;
	v16 =	vmul.f32 v15, v15;
	v7 =	vmovc v15  }
0x64: {  	v14 =	vsub.f32 v12, v14;
	v17 =	vsel vm0, v23, v17;
	vm0 =	vlt.f32 v20, $7.500000000e-01;
	v24 =	vld [tilespmem:s21+$0x0]  }
0x65: {  	v19 =	vmul.f32 v19, v8;
	v12 =	vsel vm0, v13, v20;
	v20 =	vmul.f32 $1.111111120e-01, v16;
	v8 =	vmovc v16  }
0x66: {  	v13 =	vmul.f32 $9.999999930e-09, v6;
	v6 =	vmovc v9;
	v15 =	vadd.f32 $-1.000000000e+00, v12;
	v16 =	vadd.f32 $1.000000000e+00, v12  }
0x67: {  	v12 =	vmul.f32 $6.931471820e-01, v5;
	v18 =	vadd.f32 $9.999999930e-09, v18;
	v9 =	vpop (erf);
	v20 =	vadd.f32 $1.428571490e-01, v20  }
0x68: {  	v23 =	vadd.f32 $1.000000000e+00, v17;
	v26 =	vadd.f32 $1.000000000e+00, v19;
	v5 =	vmovc v10;
	(erf) = vrcp.f32 v16  }
0x69: {  	v25 =	vadd.f32 $9.999999930e-09, v14;
	v19 =	vsub.f32 $0.0e+00, v24;
	v24 =	vmul.f32 $6.553600000e+04, v18  }
0x6a: {  	v10 =	vsel vm0, v23, v17;
	v14 =	vmul.f32 v26, v22;
	vm1 =	vlt.f32 v18, $2.288818360e-05;
	v16 =	vpop (erf)  }
0x6b: {  	v17 =	vsel vm1, v24, v18;
	v18 =	vsel vm1, $0x41800000, v0;
	v16 =	vmul.f32 v16, v3;
	v3 =	vmovc v11  }
0x6c: {  	v20 =	vmul.f32 v20, v8;
	v11 =	vmul.f32 $2.560000000e+02, v17;
	v22 =	vadd.f32 $8.000000000e+00, v18  }
0x6d: {  	v19 =	vmul.f32 $1.442695020e+00, v19;
	vm0 =	vlt.f32 v17, $5.859375000e-03;
	[tilespmem:s15+$0x2000] =	vst v16;
	v1 =	vadd.f32 v16, v1;
	s15 =	smov.u32 s16;
	s16 =	smov.u32 s17;
	s17 =	smov.u32 s18  }
.Ltmp0:
0x6e: {  	v16 =	vadd.f32 $9.999999930e-09, v9;
	s18 =	smov.u32 s19;
	s19 =	smov.u32 s21;
	v11 =	vsel vm0, v11, v17;
	v17 =	vsel vm0, v22, v18;
	(pc) =	sbr.rel @p0 .LBB2_3-.Ltmp0, $4  }
0x6f: {  	v18 =	vmul.f32 v25, v21;
	v22 =	vmul.f32 $1.600000000e+01, v11;
	v23 =	vadd.f32 $4.000000000e+00, v17  }
0x70: {  	vm0 =	vlt.f32 v11, $9.375000000e-02;
	(erf) = vpow2.f32 v19;
	v19 =	vadd.f32 $2.000000030e-01, v20  }
0x71: {  	v20 =	vsel vm0, v22, v11;
	v17 =	vsel vm0, v23, v17;
	v21 =	vpop (erf);
	v11 =	vadd.f32 $1.000000000e+00, v13  }
0x72: {  	vm0 =	vlt.f32 v20, $3.750000000e-01;
	v22 =	vmul.f32 $4.000000000e+00, v20;
	v19 =	vmul.f32 v19, v8  }
0x73: {  	_ = 	snop  }
0x74: {  	v20 =	vsel vm0, v22, v20  }
0x75: {  	v22 =	vadd.f32 v20, v20  }
0x76: {  	vm1 =	vlt.f32 v20, $7.500000000e-01  }
0x77: {  	v20 =	vsel vm1, v22, v20  }
0x78: {  	v22 =	vadd.f32 $1.000000000e+00, v20  }
0x79: {  	(erf) = vrcp.f32 v18  }
0x7a: {  	(erf) = vrcp.f32 v22;
	_ =	sdelay $0x6  }
0x7b: {  	v43 =	vpop (erf)  }
0x7c: {  	v15 =	vmul.f32 v21, v15;
	v20 =	vadd.f32 $-1.000000000e+00, v20;
	v44 =	vpop (erf)  }
0x7d: {  	v22 =	vpop (erf)  }
0x7e: {  	v23 =	vmul.f32 v15, v15;
	v20 =	vmul.f32 v22, v20;
	_ =	sdelay $0x1  }
0x7f: {  	v45 =	vmul.f32 $1.111111120e-01, v23;
	v24 =	vmul.f32 v20, v20;
	_ =	sdelay $0x1  }
0x80: {  	v22 =	vadd.f32 $1.428571490e-01, v45;
	v25 =	vmul.f32 $1.111111120e-01, v24;
	_ =	sdelay $0x1  }
0x81: {  	v22 =	vmul.f32 v22, v23;
	v25 =	vadd.f32 $1.428571490e-01, v25;
	_ =	sdelay $0x1  }
0x82: {  	v26 =	vadd.f32 $2.000000000e+00, v17;
	v22 =	vadd.f32 $2.000000030e-01, v22;
	v25 =	vmul.f32 v25, v24  }
0x83: {  	v2 =	vadd.f32 v13, v2;
	v19 =	vadd.f32 $3.333333430e-01, v19  }
0x84: {  	v12 =	vsub.f32 v12, v14;
	v46 =	vmul.f32 v22, v23;
	v47 =	vadd.f32 $2.000000030e-01, v25  }
0x85: {  	v7 =	vadd.f32 v7, v7;
	v6 =	vmul.f32 $9.999999930e-09, v6;
	v8 =	vmul.f32 v19, v8  }
0x86: {  	v5 =	vmul.f32 $6.931471820e-01, v5;
	v13 =	vadd.f32 $3.333333430e-01, v46;
	v48 =	vmul.f32 v47, v24  }
0x87: {  	v51 =	vmul.f32 $6.931471820e-01, v10;
	v9 =	vmul.f32 $9.999999930e-09, v9;
	v8 =	vadd.f32 $1.000000000e+00, v8  }
0x88: {  	v17 =	vsel vm0, v26, v17;
	v13 =	vmul.f32 v13, v23;
	v14 =	vadd.f32 $3.333333430e-01, v48  }
0x89: {  	v12 =	vadd.f32 $9.999999930e-09, v12;
	v49 =	vadd.f32 $1.000000000e+00, v17;
	v7 =	vmul.f32 v8, v7  }
0x8a: {  	v15 =	vadd.f32 v15, v15;
	v13 =	vadd.f32 $1.000000000e+00, v13;
	v14 =	vmul.f32 v14, v24  }
0x8b: {  	v4 =	vadd.f32 v6, v4;
	v17 =	vsel vm1, v49, v17;
	v5 =	vsub.f32 v5, v7  }
0x8c: {  	v53 =	vadd.f32 v20, v20;
	v52 =	vmul.f32 v13, v15;
	v54 =	vadd.f32 $1.000000000e+00, v14  }
0x8d: {  	v56 =	vadd.f32 v9, v16;
	v2 =	vmul.f32 v12, v2;
	v55 =	vmul.f32 $6.931471820e-01, v17  }
0x8e: {  	v5 =	vadd.f32 $9.999999930e-09, v5;
	v7 =	vsub.f32 v51, v52;
	v12 =	vmul.f32 v54, v53  }
0x8f: {  	v50 =	vadd.f32 $9.999999930e-09, v43;
	v57 =	vmul.f32 $9.999999930e-09, v43;
	(erf) = vrcp.f32 v2  }
0x90: {  	v2 =	vmul.f32 v5, v4;
	v7 =	vadd.f32 $9.999999930e-09, v7;
	v10 =	vsub.f32 v55, v12  }
0x91: {  	v58 =	vadd.f32 v57, v50  }
0x92: {  	(erf) = vrcp.f32 v2;
	v2 =	vmul.f32 v7, v56;
	v59 =	vadd.f32 $9.999999930e-09, v10;
	_ =	sdelay $0x1  }
0x93: {  	(erf) = vrcp.f32 v2;
	v2 =	vmul.f32 v59, v58;
	_ =	sdelay $0x1  }
0x94: {  	(erf) = vrcp.f32 v2;
	_ =	sdelay $0x1  }
0x95: {  	v2 =	vmul.f32 v44, v3  }
0x96: {  	v3 =	vpop (erf)  }
0x97: {  	v60 =	vadd.f32 $1.000000000e+00, v6;
	v3 =	vmul.f32 v3, v11;
	v1 =	vadd.f32 v2, v1  }
0x98: {  	v61 =	vpop (erf)  }
0x99: {  	v62 =	vadd.f32 $1.000000000e+00, v9;
	v4 =	vmul.f32 v61, v60;
	v1 =	vadd.f32 v3, v1  }
0x9a: {  	v63 =	vpop (erf)  }
0x9b: {  	v5 =	vadd.f32 $1.000000000e+00, v57;
	v6 =	vmul.f32 v63, v62;
	v1 =	vadd.f32 v4, v1  }
0x9c: {  	[tilespmem:s15+$0x2000] =	vst v2;
	v2 =	vpop (erf)  }
0x9d: {  	[tilespmem:s16+$0x2000] =	vst v3;
	v1 =	vadd.f32 v6, v1;
	v2 =	vmul.f32 v2, v5  }
0x9e: {  	[tilespmem:s17+$0x2000] =	vst v4  }
0x9f: {  	[tilespmem:s18+$0x2000] =	vst v6;
	v1 =	vadd.f32 v2, v1  }
0xa0: {  	[tilespmem:s19+$0x2000] =	vst v2  }
0xa1: {  	[tilespmem:$0x4000] =	vst v1  }
0xa2: {  	[tilespmem:$0x4010] =	vst v1  }
0xa3: {  	v2 =	vld [tilespmem:$0x4008];
	_ =	sdelay $0x4  }
0xa4: {  	v1 =	vadd.f32 v2, v1;
	_ =	sdelay $0x1  }
0xa5: {  	[tilespmem:$0x4000] =	vst v1  }
0xa6: {  	[tilespmem:$0x4010] =	vst v1  }
0xa7: {  	v2 =	vld [tilespmem:$0x4004];
	_ =	sdelay $0x4  }
0xa8: {  	v1 =	vadd.f32 v2, v1;
	_ =	sdelay $0x1  }
0xa9: {  	[tilespmem:$0x4000] =	vst v1  }
0xaa: {  	[tilespmem:$0x4010] =	vst v1  }
0xab: {  	v2 =	vld [tilespmem:$0x4002];
	_ =	sdelay $0x4  }
0xac: {  	v1 =	vadd.f32 v2, v1;
	_ =	sdelay $0x1  }
0xad: {  	[tilespmem:$0x4000] =	vst v1  }
0xae: {  	[tilespmem:$0x4010] =	vst v1  }
0xaf: {  	v2 =	vld [tilespmem:$0x4001];
	_ =	sdelay $0x4  }
0xb0: {  	s15 =	simm.s32 $0x0;
	v1 =	vadd.f32 v2, v1  }
0xb1: {  	v2 =	vld [tilespmem:s15+$0x2000]  }
0xb2: {  	s16 =	simm.s32 $0x40;
	v1 =	vmul.f32 $5.000000000e-01, v1  }
.LBB2_5:
0xb3: {  	p0 =	sne.s32 s16, $0x3FC0  }
.Ltmp1:
0xb4: {  	_ = 	snop;
	(pc) =	sbr.rel @p0 .LBB2_5-.Ltmp1, $4  }
0xb5: {  	_ = 	snop  }
0xb6: {  	s17 =	sshra.s32 s16, $0x2;
	s16 =	sadd.s32 $0x40, s16;
	vm0 =	vgt.f32 v2, v1  }
0xb7: {  	v2 =	vld [tilespmem:s17+$0x2000];
	v3 =	vsel vm0, $0x3F800000, v0  }
0xb8: {  	[tilespmem:s15+$0x3000] =	vst v3;
	s15 =	smov.u32 s17  }
0xb9: {  	_ =	sdelay $0x2  }
0xba: {  	s13 =	sadd.s32 $0x1, s13;
	vm0 =	vgt.f32 v2, v1  }
0xbb: {  	p0 =	sne.s32 s13, $0x4;
	v1 =	vsel vm0, $0x3F800000, v0  }
.Ltmp2:
0xbc: {  	s14 =	sadd.s32 s5, s14;
	[tilespmem:s15+$0x3000] =	vst v1;
	(pc) =	sbr.rel @p0 .LBB2_2-.Ltmp2, $4  }
0xbd: {  	[hbm4b:s14+s8] =	stream.strided.scatter [tilespmem:s12], [sflag:$0x1], $0x1000, s9, s8, $0x38;
	[tilespmem:$0x4080] =	vst v63  }
0xbe: {  	_ =	swait.ge [sflag:s10], $0x1000  }
0xbf: {  	[sflag:s10] =	ssyncset.done $0x0  }
0xc0: {  	[sflag:s10] =	ssyncadd.s32 $0xFFFFF000  }
0xc1: {  	s1 =	sadd.s32 $0x1, s1  }
0xc2: {  	p0 =	sne.s32 s1, s7  }
.Ltmp3:
0xc3: {  	_ = 	snop;
	(pc) =	sbr.rel @p0 .LBB2_1-.Ltmp3, $1  }
0xc4: {  	_ =	sdelay $0x3  }
0xc5: {  	_ =	sfence.sel $0x180000  }
0xc6: {  	[bflag:$0x0] =	sbarrier.arrive $0xFFFF  }
0xc7: {  	p0 =	sne.s32 s2, $0x0;
	_ =	strace $0x90000047  }
0xc8: {  	s0 =	sadd.s32 @!p0 $0x100000, s0;
	[bflag:$0x2] =	sbarrier.arrive $0xFFFF  }
0xc9: {  	[sflag:s0] =	ssyncadd.tile.s32 @!p0 $0x1;
	_ =	shalt  }
.Lfunc_end2:
_tile_overlayer_lowered:
.L_overlay_start_2:
0xca: {  	(tag) =	ssettag $0x2  }
0xcb: {  	s0 =	rddreg [dreg:$0x0];
	s2 =	stileid.u32  }
0xcc: {  	s1 =	rddreg [dreg:$0x1];
	p0 =	sne.s32 s2, $0x0  }
0xcd: {  	s3 =	rddreg [dreg:$0x2];
	[bflag:$0x3] =	sbarrier.arrive $0xFFFF;
	s2 =	simm.s32 @!p0 $0x1C01  }
0xce: {  	[timem:s3], [sflag:s2] =	dma.local @!p0 [hbm:s0], s1  }
0xcf: {  	s0 =	simm.s32 @!p0 $0x1  }
0xd0: {  	_ =	swait.ge @!p0 [sflag:s0], s1  }
0xd1: {  	s1 =	ssub.s32 @!p0 $0x0, s1;
	[sflag:s0] =	ssyncset.done @!p0 $0x0  }
0xd2: {  	[sflag:s0] =	ssyncadd.s32 @!p0 s1  }
0xd3: {  	[bflag:$0x3] =	sbarrier.arrive $0xFFFF  }
0xd4: {  	_ =	shalt  }

</sc_bundles>
